<compile_context>
chip_gen: v7x
topology: tpu7x:2x2x1
jax: 0.10.2.dev20260603
libtpu: 0.0.44.dev20260713+nightly
codegen_flags: <defaults>
</compile_context>

<pallas_src>
import functools

import jax
import jax.numpy as jnp
from jax import lax
from jax.experimental import pallas as pl
from jax.experimental.pallas import tpu as pltpu
from jax.experimental.pallas import tpu_sc as plsc

D = 128
N_NODES = 10000
N_EDGES = 320000

NC = 2
NS = 16
NW = NC * NS
LANES = 16

N_CHUNKS = N_EDGES // 128
CPW = -(-N_CHUNKS // NW)
EPW = CPW * 128


def _pq_tc_kernel(x_ref, w_ref, b_ref, p_ref, q_ref):
    pq = jax.lax.dot_general(
        w_ref[...], x_ref[...], (((1,), (1,)), ((), ())),
        preferred_element_type=jnp.float32,
    )
    p_ref[...] = pq[0, :] + b_ref[0]
    q_ref[...] = pq[1, :]


def _compute_pq(x, w2, b):
    n = x.shape[0]
    return pl.pallas_call(
        _pq_tc_kernel,
        in_specs=[
            pl.BlockSpec((n, D), lambda: (0, 0)),
            pl.BlockSpec((2, D), lambda: (0, 0)),
            pl.BlockSpec(memory_space=pltpu.SMEM),
        ],
        out_specs=[
            pl.BlockSpec((n,), lambda: (0,)),
            pl.BlockSpec((n,), lambda: (0,)),
        ],
        out_shape=[
            jax.ShapeDtypeStruct((n,), jnp.float32),
            jax.ShapeDtypeStruct((n,), jnp.float32),
        ],
    )(x, w2, b)


@functools.partial(
    pl.kernel,
    out_type=jax.ShapeDtypeStruct((N_EDGES,), jnp.float32),
    mesh=plsc.VectorSubcoreMesh(core_axis_name="c", subcore_axis_name="s"),
    compiler_params=pltpu.CompilerParams(
        needs_layout_passes=False,
        disable_bounds_checks=True,
        disable_semaphore_checks=True,
    ),
    scratch_types=[
        pltpu.VMEM((N_NODES,), jnp.float32),
        pltpu.VMEM((N_NODES,), jnp.float32),
        pltpu.VMEM((CPW, 2, 128), jnp.int32),
        pltpu.VMEM((EPW,), jnp.float32),
        pltpu.SemaphoreType.DMA,
        pltpu.SemaphoreType.DMA,
        pltpu.SemaphoreType.DMA,
    ],
)
def _sc_edge_kernel(p_hbm, q_hbm, idx_hbm, out_hbm,
                    p_v, q_v, idx_v, out_v, sem0, sem1, sem2):
    wid = lax.axis_index("s") * NC + lax.axis_index("c")
    base_c = jnp.minimum(wid * CPW, N_CHUNKS - CPW)
    c0 = pltpu.async_copy(idx_hbm.at[pl.ds(base_c, CPW)], idx_v, sem0)
    c1 = pltpu.async_copy(p_hbm, p_v, sem1)
    c2 = pltpu.async_copy(q_hbm, q_v, sem2)
    c1.wait()
    c2.wait()
    c0.wait()

    @plsc.parallel_loop(0, CPW * 8, 1, unroll=8)
    def body(k):
        c = k >> 3
        off = (k & 7) * LANES
        si = idx_v[c, 0, pl.ds(off, LANES)]
        di = idx_v[c, 1, pl.ds(off, LANES)]
        vp = plsc.load_gather(p_v, [si])
        vq = plsc.load_gather(q_v, [di])
        out_v[pl.ds(k * LANES, LANES)] = vp + vq

    pltpu.sync_copy(out_v, out_hbm.at[pl.ds(base_c * 128, EPW)])


def kernel(x, edge_index, W, b):
    w2 = W[:, 0].reshape(2, D)
    p, q = _compute_pq(x, w2, b)
    ei = edge_index.astype(jnp.int32)
    idx3 = ei.reshape(2, N_CHUNKS, 128).transpose(1, 0, 2)
    out = _sc_edge_kernel(p, q, idx3)
    return out.reshape(N_EDGES, 1)

# --- scband reference (transcript-rebuilt; emitter-appended) ---
"""Pipeline reference for scband-edge-processer-28647431864537 (READ-ONLY COPY).

The authoritative reference and input builder live on the scoring server;
editing this copy changes nothing except your own understanding.
"""

import jax, jax.numpy as jnp
import numpy as np

N_NODES = 10000
N_EDGES = 320000
D = 128

def setup_inputs(seed: int = 0) -> dict:
    key = jax.random.key(seed)
    k1, k2, k3, k4 = jax.random.split(key, 4)
    x = jax.random.normal(k1, (N_NODES, D), dtype=jnp.float32)
    edge_index = jax.random.randint(k2, (2, N_EDGES), 0, N_NODES, dtype=jnp.int64 if jax.config.jax_enable_x64 else jnp.int32)
    # torch.nn.Linear(2*in_dim, 1): weight [1, 2D], bias [1]
    bound = 1.0 / np.sqrt(2 * D)
    W = jax.random.uniform(k3, (2 * D, 1), dtype=jnp.float32, minval=-bound, maxval=bound)
    b = jax.random.uniform(k4, (1,), dtype=jnp.float32, minval=-bound, maxval=bound)
    return {"x": x, "edge_index": edge_index, "W": W, "b": b}

def reference(x, edge_index, W, b):
    src = jnp.take(x, edge_index[0], axis=0)
    dst = jnp.take(x, edge_index[1], axis=0)
    edge_features = jnp.concatenate([src, dst], axis=1)
    edge_weights = edge_features @ W + b
    return edge_weights

if __name__ == "__main__":
    import jax
    _d = setup_inputs()
    print(jax.jit(kernel)(*tuple(_d.values())))

</pallas_src>

<mosaic_0001>
#map = affine_map<(d0, d1) -> (0)>
#map1 = affine_map<(d0, d1) -> (0, 0, 0)>
module attributes {stable_mosaic.version = 14 : i64} {
  func.func @_sc_edge_kernel(%arg0: i32, %arg1: i32, %arg2: memref<10000xf32, #tpu.memory_space<hbm>>, %arg3: memref<10000xf32, #tpu.memory_space<hbm>>, %arg4: memref<2500x2x128xi32, #tpu.memory_space<hbm>>, %arg5: memref<320000xf32, #tpu.memory_space<hbm>>, %arg6: memref<10000xf32, #tpu.memory_space<vmem>>, %arg7: memref<10000xf32, #tpu.memory_space<vmem>>, %arg8: memref<79x2x128xi32, #tpu.memory_space<vmem>>, %arg9: memref<10112xf32, #tpu.memory_space<vmem>>, %arg10: memref<!tpu.dma_semaphore, #tpu.memory_space<semaphore_mem>>, %arg11: memref<!tpu.dma_semaphore, #tpu.memory_space<semaphore_mem>>, %arg12: memref<!tpu.dma_semaphore, #tpu.memory_space<semaphore_mem>>) attributes {dimension_semantics = [#tpu.dimension_semantics<core_parallel>, #tpu.dimension_semantics<subcore_parallel>], iteration_bounds = array<i64: 2, 16>, scalar_prefetch = 0 : i64, scratch_operands = 7 : i64, tpu.core_type = #tpu.core_type<sc_vector_subcore>, window_params = [{transform_indices = #map}, {transform_indices = #map}, {transform_indices = #map1}, {transform_indices = #map}]} {
    %mul3A = arith.constant 2 : i32
    %mul3A_0 = arith.muli %arg1, %mul3A : i32
    %add3A = arith.addi %mul3A_0, %arg0 : i32
    %mul3A_1 = arith.constant 79 : i32
    %mul3A_2 = arith.muli %add3A, %mul3A_1 : i32
    %min3A = arith.constant 2421 : i32
    %min3A_3 = arith.minsi %mul3A_2, %min3A : i32
    %dma_start3A = arith.constant 0 : i32
    %dma_start3A_4 = arith.constant 0 : i32
    %dma_start3A_5 = tpu.memref_slice %arg4[%min3A_3, %dma_start3A, %dma_start3A_4] : memref<2500x2x128xi32, #tpu.memory_space<hbm>> -> memref<79x2x128xi32, #tpu.memory_space<hbm>>
    %dma_start3A_6 = arith.constant 0 : i32
    %dma_start3A_7 = arith.constant 0 : i32
    %dma_start3A_8 = tpu.memref_slice %arg4[%min3A_3, %dma_start3A_6, %dma_start3A_7] : memref<2500x2x128xi32, #tpu.memory_space<hbm>> -> memref<79x2x128xi32, #tpu.memory_space<hbm>>
    tpu.enqueue_dma source(%dma_start3A_8 : memref<79x2x128xi32, #tpu.memory_space<hbm>>) target(%arg8 : memref<79x2x128xi32, #tpu.memory_space<vmem>>) target_semaphore(%arg10 : memref<!tpu.dma_semaphore, #tpu.memory_space<semaphore_mem>>)
    tpu.enqueue_dma source(%arg2 : memref<10000xf32, #tpu.memory_space<hbm>>) target(%arg6 : memref<10000xf32, #tpu.memory_space<vmem>>) target_semaphore(%arg11 : memref<!tpu.dma_semaphore, #tpu.memory_space<semaphore_mem>>)
    tpu.enqueue_dma source(%arg3 : memref<10000xf32, #tpu.memory_space<hbm>>) target(%arg7 : memref<10000xf32, #tpu.memory_space<vmem>>) target_semaphore(%arg12 : memref<!tpu.dma_semaphore, #tpu.memory_space<semaphore_mem>>)
    tpu.wait_dma2 semaphore(%arg11 : memref<!tpu.dma_semaphore, #tpu.memory_space<semaphore_mem>>) src(%arg2 : memref<10000xf32, #tpu.memory_space<hbm>>) dst(%arg6 : memref<10000xf32, #tpu.memory_space<vmem>>)
    tpu.wait_dma2 semaphore(%arg12 : memref<!tpu.dma_semaphore, #tpu.memory_space<semaphore_mem>>) src(%arg3 : memref<10000xf32, #tpu.memory_space<hbm>>) dst(%arg7 : memref<10000xf32, #tpu.memory_space<vmem>>)
    %dma_wait3A = arith.constant 0 : i32
    %dma_wait3A_9 = arith.constant 0 : i32
    %dma_wait3A_10 = tpu.memref_slice %arg4[%min3A_3, %dma_wait3A, %dma_wait3A_9] : memref<2500x2x128xi32, #tpu.memory_space<hbm>> -> memref<79x2x128xi32, #tpu.memory_space<hbm>>
    %dma_wait3A_11 = arith.constant 0 : i32
    %dma_wait3A_12 = arith.constant 0 : i32
    %dma_wait3A_13 = tpu.memref_slice %arg4[%min3A_3, %dma_wait3A_11, %dma_wait3A_12] : memref<2500x2x128xi32, #tpu.memory_space<hbm>> -> memref<79x2x128xi32, #tpu.memory_space<hbm>>
    tpu.wait_dma2 semaphore(%arg10 : memref<!tpu.dma_semaphore, #tpu.memory_space<semaphore_mem>>) src(%dma_wait3A_13 : memref<79x2x128xi32, #tpu.memory_space<hbm>>) dst(%arg8 : memref<79x2x128xi32, #tpu.memory_space<vmem>>)
    %parallel_loop3A = arith.constant 0 : i32
    %parallel_loop3A_14 = arith.constant 632 : i32
    %parallel_loop3A_15 = arith.constant 1 : i32
    scf.for %parallel_loop3A_18 = %parallel_loop3A to %parallel_loop3A_14 step %parallel_loop3A_15  : i32 {
      %parallel_loop3A_19 = arith.constant 3 : i32
      %parallel_loop3A_20 = arith.shrsi %parallel_loop3A_18, %parallel_loop3A_19 : i32
      %parallel_loop3A_21 = arith.constant 7 : i32
      %parallel_loop3A_22 = arith.andi %parallel_loop3A_18, %parallel_loop3A_21 : i32
      %parallel_loop3A_23 = arith.constant 16 : i32
      %parallel_loop3A_24 = arith.muli %parallel_loop3A_22, %parallel_loop3A_23 : i32
      %parallel_loop3A_25 = arith.constant 0 : i32
      %parallel_loop3A_26 = arith.index_cast %parallel_loop3A_20 : i32 to index
      %parallel_loop3A_27 = arith.index_cast %parallel_loop3A_25 : i32 to index
      %parallel_loop3A_28 = arith.index_cast %parallel_loop3A_24 : i32 to index
      %parallel_loop3A_29 = tpu.vector_load %arg8[%parallel_loop3A_26, %parallel_loop3A_27, %parallel_loop3A_28] {strides = array<i32>} : memref<79x2x128xi32, #tpu.memory_space<vmem>>, vector<16xi32>,
      %parallel_loop3A_30 = arith.constant 1 : i32
      %parallel_loop3A_31 = arith.index_cast %parallel_loop3A_20 : i32 to index
      %parallel_loop3A_32 = arith.index_cast %parallel_loop3A_30 : i32 to index
      %parallel_loop3A_33 = arith.index_cast %parallel_loop3A_24 : i32 to index
      %parallel_loop3A_34 = tpu.vector_load %arg8[%parallel_loop3A_31, %parallel_loop3A_32, %parallel_loop3A_33] {strides = array<i32>} : memref<79x2x128xi32, #tpu.memory_space<vmem>>, vector<16xi32>,
      %parallel_loop3A_35 = tpu.vector_load_idx %arg6[%parallel_loop3A_29] : memref<10000xf32, #tpu.memory_space<vmem>>[vector<16xi32>], vector<16xf32>,
      %parallel_loop3A_36 = tpu.vector_load_idx %arg7[%parallel_loop3A_34] : memref<10000xf32, #tpu.memory_space<vmem>>[vector<16xi32>], vector<16xf32>,
      %parallel_loop3A_37 = arith.addf %parallel_loop3A_35, %parallel_loop3A_36 : vector<16xf32>
      %parallel_loop3A_38 = arith.constant 16 : i32
      %parallel_loop3A_39 = arith.muli %parallel_loop3A_18, %parallel_loop3A_38 : i32
      %parallel_loop3A_40 = arith.index_cast %parallel_loop3A_39 : i32 to index
      %parallel_loop3A_41 = tpu.vector_load %arg9[%parallel_loop3A_40] {strides = array<i32>} : memref<10112xf32, #tpu.memory_space<vmem>>, vector<16xf32>,
      tpu.vector_store %arg9[%parallel_loop3A_40], %parallel_loop3A_37 {strides = array<i32>} : memref<10112xf32, #tpu.memory_space<vmem>>, vector<16xf32>,
    } {sc.loop_unroll_factor = 8 : i64, sc.parallel_access}
    %mul3A_16 = arith.constant 128 : i32
    %mul3A_17 = arith.muli %min3A_3, %mul3A_16 : i32
    "tpu.region"() ({
      %run_scoped3A = tpu.sem_alloc : memref<!tpu.dma_semaphore, #tpu.memory_space<semaphore_mem>>
      %dma_start3A_18 = tpu.memref_slice %arg5[%mul3A_17] : memref<320000xf32, #tpu.memory_space<hbm>> -> memref<10112xf32, #tpu.memory_space<hbm>>
      %dma_start3A_19 = tpu.memref_slice %arg5[%mul3A_17] : memref<320000xf32, #tpu.memory_space<hbm>> -> memref<10112xf32, #tpu.memory_space<hbm>>
      tpu.enqueue_dma source(%arg9 : memref<10112xf32, #tpu.memory_space<vmem>>) target(%dma_start3A_19 : memref<10112xf32, #tpu.memory_space<hbm>>) target_semaphore(%run_scoped3A : memref<!tpu.dma_semaphore, #tpu.memory_space<semaphore_mem>>)
      %dma_wait3A_20 = tpu.memref_slice %arg5[%mul3A_17] : memref<320000xf32, #tpu.memory_space<hbm>> -> memref<10112xf32, #tpu.memory_space<hbm>>
      %dma_wait3A_21 = tpu.memref_slice %arg5[%mul3A_17] : memref<320000xf32, #tpu.memory_space<hbm>> -> memref<10112xf32, #tpu.memory_space<hbm>>
      tpu.wait_dma2 semaphore(%run_scoped3A : memref<!tpu.dma_semaphore, #tpu.memory_space<semaphore_mem>>) src(%arg9 : memref<10112xf32, #tpu.memory_space<vmem>>) dst(%dma_wait3A_21 : memref<10112xf32, #tpu.memory_space<hbm>>)
      tpu.yield
    }) : () -> ()
    return
  }
}

module attributes {stable_mosaic.version = 14 : i64} {
  func.func @_pq_tc_kernel(%arg0: memref<10000x128xf32, #tpu.memory_space<vmem>>, %arg1: memref<2x128xf32, #tpu.memory_space<vmem>>, %arg2: memref<1xf32, #tpu.memory_space<smem>>, %arg3: memref<10000xf32, #tpu.memory_space<vmem>>, %arg4: memref<10000xf32, #tpu.memory_space<vmem>>) attributes {dimension_semantics = [], scalar_prefetch = 0 : i64, scratch_operands = 0 : i64, tpu.core_type = #tpu.core_type<tc>} {
    %get3A = arith.constant 0 : index
    %get3A_0 = arith.constant 0 : index
    %get3A_1 = vector.load %arg1[%get3A, %get3A_0] : memref<2x128xf32, #tpu.memory_space<vmem>>, vector<2x128xf32>
    %get3A_2 = arith.constant 0 : index
    %get3A_3 = arith.constant 0 : index
    %get3A_4 = vector.load %arg0[%get3A_2, %get3A_3] : memref<10000x128xf32, #tpu.memory_space<vmem>>, vector<10000x128xf32>
    %dot_general3A = arith.constant dense<0.000000e+00> : vector<2x10000xf32>
    %dot_general3A_5 = tpu.matmul %get3A_1, %get3A_4, %dot_general3A {dimension_numbers = #tpu.dot_dimension_numbers<[1], [1], [0], [0], [0, 0, 1, 0], [], []>, transpose_lhs_hint = false} : vector<2x128xf32>, vector<10000x128xf32>, vector<2x10000xf32> -> vector<2x10000xf32>
    %slice3A = vector.extract_strided_slice %dot_general3A_5 {offsets = [0, 0], sizes = [1, 10000], strides = [1, 1]} : vector<2x10000xf32> to vector<1x10000xf32>
    %squeeze3A = vector.shape_cast %slice3A : vector<1x10000xf32> to vector<10000xf32>
    %get3A_6 = arith.constant 0 : index
    %get3A_7 = memref.load %arg2[%get3A_6] : memref<1xf32, #tpu.memory_space<smem>>
    %add3A = vector.broadcast %get3A_7 : f32 to vector<10000xf32>
    %add3A_8 = arith.addf %squeeze3A, %add3A : vector<10000xf32>
    %swap3A = arith.constant 0 : index
    %swap3A_9 = vector.load %arg3[%swap3A] : memref<10000xf32, #tpu.memory_space<vmem>>, vector<10000xf32>
    tpu.vector_store %arg3[%swap3A], %add3A_8 {strides = array<i32>} : memref<10000xf32, #tpu.memory_space<vmem>>, vector<10000xf32>,
    %slice3A_10 = vector.extract_strided_slice %dot_general3A_5 {offsets = [1, 0], sizes = [1, 10000], strides = [1, 1]} : vector<2x10000xf32> to vector<1x10000xf32>
    %squeeze3A_11 = vector.shape_cast %slice3A_10 : vector<1x10000xf32> to vector<10000xf32>
    %swap3A_12 = arith.constant 0 : index
    %swap3A_13 = vector.load %arg4[%swap3A_12] : memref<10000xf32, #tpu.memory_space<vmem>>, vector<10000xf32>
    tpu.vector_store %arg4[%swap3A_12], %squeeze3A_11 {strides = array<i32>} : memref<10000xf32, #tpu.memory_space<vmem>>, vector<10000xf32>,
    return
  }
}

</mosaic_0001>

<sc_bundles>
// kernel: kernel.4.cloned.1.call-start
scs
__scs_entry_jumppad:
0x0: {  	(pc) =	sbr.rel $0x88, $3  }
0x1: {  	(tag) =	ssettag $0x0;
	lr =	simm.s32 $0x1  }
0x2: {  	[smem:$0x3F9D] =	sst lr;
	_ =	strace $0xD0000000  }
0x3: {  	_ = 	snop  }
0x4: {  	_ = 	snop  }
0x5: {  	_ = 	snop  }
0x6: {  	_ = 	snop  }
0x7: {  	_ = 	snop  }
__scs_overlays_trampoline_lowered:
0x8: {  	[smem:$0x3FAC] =	sst s0  }
0x9: {  	[smem:$0x3FAD] =	sst s1  }
0xa: {  	[smem:$0x3FAE] =	sst s2  }
0xb: {  	[smem:$0x3FAF] =	sst s3  }
0xc: {  	[smem:$0x3FB0] =	sst s4  }
0xd: {  	[smem:$0x3FB1] =	sst s5  }
0xe: {  	[smem:$0x3FB2] =	sst s6  }
0xf: {  	[smem:$0x3FB3] =	sst s7  }
0x10: {  	[smem:$0x3FB4] =	sst s8  }
0x11: {  	[smem:$0x3FB5] =	sst s9;
	s0 =	simm.s32 @!p0 $0x0  }
0x12: {  	s1 =	sld [smem:$0x3F9B];
	s0 =	simm.s32 @p0 $0x1  }
0x13: {  	[smem:$0x3FB6] =	sst s0;
	s0 =	simm.s32 @!p1 $0x0  }
0x14: {  	s2 =	sld [smem:$0x3F9A];
	s0 =	simm.s32 @p1 $0x1  }
0x15: {  	[smem:$0x3FB7] =	sst s0;
	s0 =	simm.s32 @!p2 $0x0  }
0x16: {  	s3 =	sld [smem:$0x3FDB];
	s0 =	simm.s32 @p2 $0x1  }
0x17: {  	s4 =	simm.s32 $0x1BF5;
	[smem:$0x3FB9] =	sst s0  }
0x18: {  	s0 =	sld [smem:$0x3F9C];
	_ =	swait.ge [sflag:s4], $0x0  }
0x19: {  	s7 =	sld [smem:$0x3F9D]  }
0x1a: {  	s8 =	sadd.s32 $0xFFFFE003, lr  }
0x1b: {  	s9 =	sadd.s32 $0xFFFFFEF7, lr;
	s5 =	simm.s32 $0xFFFFFFFF;
	p2 =	slt.u32 s8, $0xFFFFF086  }
0x1c: {  	p1 =	slt.u32 s9, $0xF7A;
	s5 =	simm.s32 @!p2 $0x0  }
0x1d: {  	s5 =	simm.s32 @p1 $0x1;
	p0 =	seq.s32 s7, s2  }
0x1e: {  	s7 =	smul.u32 @!p0 $0xF7A, s2;
	p2 =	seq.s32 @!p0 s5, $0x0  }
0x1f: {  	s9 =	smul.u32 $0xF7A, s1;
	s8 =	simm.s32 @!p0 $0x1BF5;
	p2 =	por !p2, p0  }
0x20: {  	[sflag:s8] =	ssyncset.s32 @!p0 $0xFFFFF086;
	s6 =	sadd.s32 @!p0 s3, s7;
	s7 =	simm.s32 @!p0 $0x108  }
0x21: {  	s3 =	sadd.s32 s3, s9;
	s6 =	sadd.s32 @!p0 $0x88, s6;
	s7 =	simm.s32 @p2 $0x1082  }
0x22: {  	[simem:s7], [sflag:s8] =	dma.local @!p0 [hbm:s6], $0xF7A  }
0x23: {  	s9 =	sor.u32 $0xD0000000, s2;
	s6 =	simm.s32 $0x108;
	_ =	swait.ge @!p0 [sflag:s8], $0x0  }
0x24: {  	s3 =	sadd.s32 $0x88, s3;
	s6 =	simm.s32 @!p1 $0x1082;
	[sflag:s4] =	ssyncset.s32 $0xFFFFF086  }
0x25: {  	[simem:s6], [sflag:s4] =	dma.local [hbm:s3], $0xF7A  }
0x26: {  	[smem:$0x3F9D] =	sst s1;
	(tag) =	ssettag s2;
	_ =	strace s9  }
0x27: {  	s1 =	sld [smem:$0x3FAD]  }
0x28: {  	s2 =	sld [smem:$0x3FAE]  }
0x29: {  	s4 =	sld [smem:$0x3FB0]  }
0x2a: {  	p0 =	seq.s32 s5, $0x0;
	s5 =	sld [smem:$0x3FB1]  }
0x2b: {  	s6 =	sld [smem:$0x3FB2]  }
0x2c: {  	s7 =	sld [smem:$0x3FB3]  }
0x2d: {  	s3 =	simm.s32 $0x108;
	s8 =	sld [smem:$0x3FB4]  }
0x2e: {  	s3 =	simm.s32 @!p0 $0x1082;
	s9 =	sld [smem:$0x3FB5]  }
0x2f: {  	lr =	sadd.s32 s0, s3;
	s0 =	sld [smem:$0x3FAC]  }
0x30: {  	s3 =	sld [smem:$0x3FAF]  }
0x31: {  	[smem:$0x3FB8] =	sst s10  }
0x32: {  	s10 =	sld [smem:$0x3FB6];
	_ =	sdelay $0x3  }
0x33: {  	p0 =	seq.s32 s10, $0x1;
	s10 =	sld [smem:$0x3FB8];
	_ =	sdelay $0x3  }
0x34: {  	[smem:$0x3FB8] =	sst s10  }
0x35: {  	s10 =	sld [smem:$0x3FB7];
	_ =	sdelay $0x3  }
0x36: {  	p1 =	seq.s32 s10, $0x1;
	s10 =	sld [smem:$0x3FB8];
	_ =	sdelay $0x3  }
0x37: {  	[smem:$0x3FB8] =	sst s10  }
0x38: {  	s10 =	sld [smem:$0x3FB9]  }
0x39: {  	_ = 	snop;
	(pc) =	sbr.ind lr, $3  }
0x3a: {  	_ = 	snop  }
0x3b: {  	_ = 	snop  }
0x3c: {  	p2 =	seq.s32 s10, $0x1;
	s10 =	sld [smem:$0x3FB8]  }
0x3d: {  	_ =	shalt  }
0x3e: {  	_ =	shalt  }
0x3f: {  	_ =	shalt  }
0x40: {  	_ =	shalt  }
0x41: {  	_ =	shalt  }
0x42: {  	_ =	shalt  }
0x43: {  	_ =	shalt  }
0x44: {  	_ =	shalt  }
0x45: {  	_ =	shalt  }
0x46: {  	_ =	shalt  }
0x47: {  	_ =	shalt  }
0x48: {  	_ =	shalt  }
0x49: {  	_ =	shalt  }
0x4a: {  	_ =	shalt  }
0x4b: {  	_ =	shalt  }
0x4c: {  	_ =	shalt  }
0x4d: {  	_ =	shalt  }
0x4e: {  	_ =	shalt  }
0x4f: {  	_ =	shalt  }
0x50: {  	_ =	shalt  }
0x51: {  	_ =	shalt  }
0x52: {  	_ =	shalt  }
0x53: {  	_ =	shalt  }
0x54: {  	_ =	shalt  }
0x55: {  	_ =	shalt  }
0x56: {  	_ =	shalt  }
0x57: {  	_ =	shalt  }
0x58: {  	_ =	shalt  }
0x59: {  	_ =	shalt  }
0x5a: {  	_ =	shalt  }
0x5b: {  	_ =	shalt  }
0x5c: {  	_ =	shalt  }
0x5d: {  	_ =	shalt  }
0x5e: {  	_ =	shalt  }
0x5f: {  	_ =	shalt  }
0x60: {  	_ =	shalt  }
0x61: {  	_ =	shalt  }
0x62: {  	_ =	shalt  }
0x63: {  	_ =	shalt  }
0x64: {  	_ =	shalt  }
0x65: {  	_ =	shalt  }
0x66: {  	_ =	shalt  }
0x67: {  	_ =	shalt  }
0x68: {  	_ =	shalt  }
0x69: {  	_ =	shalt  }
0x6a: {  	_ =	shalt  }
0x6b: {  	_ =	shalt  }
0x6c: {  	_ =	shalt  }
0x6d: {  	_ =	shalt  }
0x6e: {  	_ =	shalt  }
0x6f: {  	_ =	shalt  }
0x70: {  	_ =	shalt  }
0x71: {  	_ =	shalt  }
0x72: {  	_ =	shalt  }
0x73: {  	_ =	shalt  }
0x74: {  	_ =	shalt  }
0x75: {  	_ =	shalt  }
0x76: {  	_ =	shalt  }
0x77: {  	_ =	shalt  }
0x78: {  	_ =	shalt  }
0x79: {  	_ =	shalt  }
0x7a: {  	_ =	shalt  }
0x7b: {  	_ =	shalt  }
0x7c: {  	_ =	shalt  }
0x7d: {  	_ =	shalt  }
0x7e: {  	_ =	shalt  }
0x7f: {  	_ =	shalt  }
0x80: {  	_ =	shalt  }
0x81: {  	_ =	shalt  }
0x82: {  	_ =	shalt  }
0x83: {  	_ =	shalt  }
0x84: {  	_ =	shalt  }
0x85: {  	_ =	shalt  }
0x86: {  	_ =	shalt  }
0x87: {  	_ =	shalt  }
.Lfunc_end0:
.L_simem_size_0:
called_computation_lowered:
.L_overlay_start_0:
0x88: {  	s2 =	sld [smem:$0x3FD9]  }
0x89: {  	s3 =	sld [smem:$0x3FFE];
	_ =	sdelay $0x1  }
0x8a: {  	s1 =	srdreg.scid  }
0x8b: {  	s0 =	sand.u32 $0x1, s1  }
0x8c: {  	s17 =	sshll.u32 s0, $0xA;
	s2 =	sadd.s32 s3, s2  }
0x8d: {  	s2 =	sadd.s32 s2, s17  }
0x8e: {  	[smem:$0x3FC4] =	sst s2  }
0x8f: {  	_ = 	snop  }
0x90: {  	s2 =	sld [smem:$0x3FC8]  }
0x91: {  	s18 =	sld [smem:$0x3FD0];
	(tm) =	ssettm $0x1  }
0x92: {  	s4 =	sld [smem:$0x3FFB];
	_ =	sdelay $0x3  }
0x93: {  	_ =	strace s4  }
0x94: {  	s4 =	sld [smem:$0x3FFC];
	_ =	sdelay $0x3  }
0x95: {  	_ =	strace s4  }
0x96: {  	s4 =	sld [smem:$0x3FFD];
	_ =	sdelay $0x3  }
0x97: {  	_ =	strace s4  }
0x98: {  	_ =	strace $0x8FFFFFFF  }
0x99: {  	s19 =	sld [smem:$0x3FDB];
	_ =	sdelay $0x1  }
0x9a: {  	s5 =	simm.s32 $_scs_section_size  }
0x9b: {  	s6 =	simm.s32 $_size__tile_overlayer_lowered;
	s7 =	simm.s32 $_tile_overlayer_lowered  }
0x9c: {  	s22 =	simm.s32 $0x1BFF;
	s21 =	sshll.u32 s7, $0x1;
	s4 =	sadd.s32 s5, s19  }
0x9d: {  	s8 =	simm.s32 $0x0;
	s20 =	sshll.u32 s6, $0x1;
	s6 =	sadd.s32 s21, s4  }
0x9e: {  	[timem:s8], [sflag:s22] =	dma.local [hbm:s6], s20  }
0x9f: {  	_ =	swait.ge [sflag:s22], s20  }
0xa0: {  	s5 =	ssub.s32 $0x0, s20;
	[sflag:s22] =	ssyncset.done $0x0  }
0xa1: {  	[sflag:s22] =	ssyncadd.s32 s5;
	_ =	sdelay $0x1  }
0xa2: {  	s23 =	simm.s32 $0x1B8B  }
0xa3: {  	_ =	swait.ge [sflag:s23], $0x1  }
0xa4: {  	[sflag:s23] =	ssyncset.done $0x0  }
0xa5: {  	s25 =	simm.s32 $0x1B8E;
	s24 =	sld [smem:$0x3FFE];
	[sflag:s23] =	ssyncadd.s32 $0xFFFFFFFF  }
0xa6: {  	s26 =	simm.s32 $execute0_lowered;
	[smem:$0x3FD2] =	sst s25  }
0xa7: {  	s6 =	sshll.u32 s26, $0x1;
	_ =	strace $0x80000046;
	[dreg:$0x1] =	wrdreg $0xFFFFFFFF  }
0xa8: {  	s28 =	simm.s32 $_size_execute0_lowered;
	s4 =	sadd.s32 s4, s6;
	[dreg:$0x0] =	wrdreg $0x0  }
0xa9: {  	s6 =	sshll.u32 s28, $0x1;
	[dreg:$0x2] =	wrdreg s4  }
0xaa: {  	[dreg:$0x3] =	wrdreg s6  }
0xab: {  	[dreg:$0x4] =	wrdreg $0xC0  }
0xac: {  	_ =	task [dreg:s8], $0x5FFFF  }
0xad: {  	[dreg:$0x1] =	wrdreg $0xFFFFFFFF  }
0xae: {  	[dreg:$0x0] =	wrdreg $0x60  }
0xaf: {  	[dreg:$0x2] =	wrdreg s18  }
0xb0: {  	[dreg:$0x3] =	wrdreg s24  }
0xb1: {  	[dreg:$0x4] =	wrdreg s2  }
0xb2: {  	[dreg:$0x5] =	wrdreg $0x9  }
0xb3: {  	_ =	task.clear_ibuf [dreg:s8], $0x6FFFF;
	_ =	strace $0x90000046  }
0xb4: {  	s29 =	simm.s32 $0x9;
	_ =	strace $0x80000048  }
0xb5: {  	_ =	swait.ge [sflag:s29], $0x1  }
0xb6: {  	[sflag:s29] =	ssyncadd.s32 $0xFFFFFFFF  }
0xb7: {  	_ =	strace $0x90000048  }
0xb8: {  	_ =	sfence  }
0xb9: {  	s30 =	sld [smem:$0x0];
	_ =	sdelay $0x2  }
0xba: {  	s31 =	sshll.u32 s1, $0xD;
	s1 =	sshrl.u32 s1, $0x2  }
0xbb: {  	s3 =	sand.u32 $0x4000, s31;
	s1 =	sadd.s32 s1, s30  }
0xbc: {  	s0 =	sor.u32 s3, s0;
	s1 =	sshll.u32 s1, $0x11  }
0xbd: {  	s0 =	sor.u32 s1, s0  }
0xbe: {  	s0 =	sadd.s32 $0x8F2B, s0  }
0xbf: {  	[sflag:s0] =	ssyncadd.remote.s32 $0x1  }
0xc0: {  	_ =	sfence.sel $0xFFFF  }
0xc1: {  	[dreg:$0x0] =	wrdreg $0xFFFFFFFF;
	(pc) =	sbr.abs _section_cstart, $3  }
0xc2: {  	[dreg:$0x1] =	wrdreg $0xFFFFFFFF  }
0xc3: {  	_ =	task.clear_ibuf [dreg:s8], $0x2FFFF;
	_ =	strace $0x9FFFFFFF  }
0xc4: {  	(tm) =	ssettm $0x7FFFFFFF  }
0xc5: {  	_ =	shalt  }
tec
execute0_lowered:
.L_overlay_start_1:
0x0: {  	(tag) =	ssettag $0x1  }
0x1: {  	s1 =	rddreg [dreg:$0x0]  }
0x2: {  	s2 =	srdreg.scid;
	s5 =	rddreg [dreg:$0x1]  }
0x3: {  	s0 =	stileid.u32;
	s7 =	rddreg [dreg:$0x2]  }
0x4: {  	s3 =	simm.s32 $0x0;
	s6 =	sand.u32 $0x1, s2;
	s30 =	sshll.u32 s0, $0x1  }
0x5: {  	s11 =	simm.s32 $0x3;
	s12 =	simm.s32 $0x1;
	s4 =	sor.u32 s6, s30  }
0x6: {  	s13 =	simm.s32 $0x9E00;
	s14 =	simm.s32 $0x4;
	s4 =	smul.u32 $0x4F, s4  }
0x7: {  	s15 =	simm.s32 $0x0;
	s2 =	rddreg [dreg:$0x3];
	s6 =	ssub.s32 $0x2, s6  }
0x8: {  	[smem:$0x7FF] =	sst s3;
	s31 =	sshrl.u32 s6, $0x1;
	s8 =	smin.u32 s4, $0x975  }
0x9: {  	_ =	strace $0x80000047;
	s10 =	ssub.s32 s6, s31;
	s9 =	sshll.u32 s8, $0x4  }
0xa: {  	s4 =	sadd.s32 $0xE00, s5;
	s8 =	sshll.u32 s8, $0x5;
	s9 =	sadd.s32 s9, s5  }
0xb: {  	s5 =	sadd.s32 s7, s8;
	s7 =	smax.u32 s10, $0x1;
	s8 =	simm.s32 $0x4F00  }
0xc: {  	s10 =	simm.s32 $0x2;
	s6 =	sadd.s32 $0x1400, s9;
	s9 =	simm.s32 $0x2780  }
.LBB2_1:
0xd: {  	[tilespmem:s8], [sflag:$0x1] =	stream.linear.gather [hbm4b:s5+s3], $0x4F00, $0x38;
	[tilespmem:$0xC580] =	vst v63  }
0xe: {  	_ = 	snop  }
0xf: {  	[tilespmem:s3], [sflag:$0x2] =	stream.linear.gather [hbm4b:s1+s3], $0x2780, $0x38;
	[tilespmem:$0xC580] =	vst v63  }
0x10: {  	_ = 	snop  }
0x11: {  	[tilespmem:s9], [sflag:$0x3] =	stream.linear.gather [hbm4b:s4+s3], $0x2780, $0x38;
	[tilespmem:$0xC580] =	vst v63  }
0x12: {  	_ =	swait.ge [sflag:s10], $0x2780  }
0x13: {  	[sflag:s10] =	ssyncset.done $0x0  }
0x14: {  	[sflag:s10] =	ssyncadd.s32 $0xFFFFD880  }
0x15: {  	_ =	swait.ge [sflag:s11], $0x2780  }
0x16: {  	[sflag:s11] =	ssyncset.done $0x0  }
0x17: {  	[sflag:s11] =	ssyncadd.s32 $0xFFFFD880  }
0x18: {  	_ =	swait.ge [sflag:s12], $0x4F00  }
0x19: {  	[sflag:s12] =	ssyncset.done $0x0  }
0x1a: {  	s16 =	simm.s32 $0x4F80;
	[sflag:s12] =	ssyncadd.s32 $0xFFFFB100  }
0x1b: {  	v0 =	vld [tilespmem:s16+$0xFFFFFFF0]  }
0x1c: {  	v1 =	vld [tilespmem:s16+$0x70]  }
0x1d: {  	v2 =	vld [tilespmem:s16+$0x0]  }
0x1e: {  	v3 =	vld [tilespmem:s16+$0xFFFFFF90]  }
0x1f: {  	v4 =	vld [tilespmem:s16+$0x10]  }
0x20: {  	v5 =	vld [tilespmem:s16+$0xFFFFFFA0]  }
0x21: {  	v6 =	vld [tilespmem:s16+$0x20]  }
0x22: {  	v7 =	vld [tilespmem:s16+$0xFFFFFFB0]  }
0x23: {  	v9 =	vld [tilespmem:s16+$0xFFFFFFC0]  }
0x24: {  	v10 =	vld [tilespmem:s16+$0x40]  }
0x25: {  	v11 =	vld [tilespmem:s16+$0xFFFFFFD0]  }
0x26: {  	v12 =	vld [tilespmem:s16+$0x50]  }
0x27: {  	v13 =	vld [tilespmem:s16+$0xFFFFFFE0]  }
0x28: {  	v14 =	vld [tilespmem:s16+$0x60]  }
0x29: {  	v15 =	vld [tilespmem:s16+$0xFFFFFF80]  }
0x2a: {  	v8 =	vld.idx.msk [tilespmem:v0+s3+$0x0], $0xffff  }
0x2b: {  	v1 =	vld.idx.msk [tilespmem:v1+s9+$0x0], $0xffff  }
0x2c: {  	v0 =	vld [tilespmem:s16+$0x30]  }
0x2d: {  	v16 =	vld.idx.msk [tilespmem:v2+s9+$0x0], $0xffff  }
0x2e: {  	v3 =	vld.idx.msk [tilespmem:v3+s3+$0x0], $0xffff  }
0x2f: {  	v4 =	vld.idx.msk [tilespmem:v4+s9+$0x0], $0xffff  }
0x30: {  	v5 =	vld.idx.msk [tilespmem:v5+s3+$0x0], $0xffff  }
0x31: {  	v6 =	vld.idx.msk [tilespmem:v6+s9+$0x0], $0xffff  }
0x32: {  	v7 =	vld.idx.msk [tilespmem:v7+s3+$0x0], $0xffff  }
0x33: {  	v15 =	vld.idx.msk [tilespmem:v15+s3+$0x0], $0xffff  }
0x34: {  	v17 =	vld.idx.msk [tilespmem:v0+s9+$0x0], $0xffff  }
0x35: {  	v2 =	vld.idx.msk [tilespmem:v10+s9+$0x0], $0xffff  }
0x36: {  	v8 =	vadd.f32 v1, v8;
	v1 =	vld.idx.msk [tilespmem:v11+s3+$0x0], $0xffff  }
0x37: {  	s16 =	simm.s32 $0x9E40;
	v3 =	vadd.f32 v4, v3;
	v0 =	vld.idx.msk [tilespmem:v9+s3+$0x0], $0xffff  }
0x38: {  	v5 =	vadd.f32 v6, v5;
	v4 =	vld.idx.msk [tilespmem:v12+s9+$0x0], $0xffff;
	[tilespmem:s16+$0x30] =	vst v8  }
0x39: {  	[tilespmem:s16+$0xFFFFFFD0] =	vst v3;
	v3 =	vld.idx.msk [tilespmem:v13+s3+$0x0], $0xffff;
	v7 =	vadd.f32 v17, v7  }
0x3a: {  	s17 =	simm.s32 $0x0;
	s18 =	simm.s32 $0x5080;
	v6 =	vadd.f32 v16, v15;
	[tilespmem:s16+$0xFFFFFFE0] =	vst v5;
	v5 =	vld.idx.msk [tilespmem:v14+s9+$0x0], $0xffff  }
.LBB2_2:
0x3b: {  	v8 =	vld [tilespmem:s18+$0xFFFFFFF0];
	[tilespmem:s16+$0xFFFFFFF0] =	vst v7  }
0x3c: {  	s17 =	sadd.s32 $0x8, s17;
	v0 =	vadd.f32 v2, v0;
	v7 =	vld [tilespmem:s18+$0x70];
	[tilespmem:s16+$0xFFFFFFC0] =	vst v6  }
0x3d: {  	p0 =	slt.u32 s17, $0x270;
	v2 =	vld [tilespmem:s18+$0x0]  }
0x3e: {  	v6 =	vld [tilespmem:s18+$0xFFFFFF90];
	[tilespmem:s16+$0x0] =	vst v0;
	v0 =	vadd.f32 v4, v1  }
0x3f: {  	v1 =	vld [tilespmem:s18+$0x10]  }
0x40: {  	v4 =	vld [tilespmem:s18+$0xFFFFFFA0];
	[tilespmem:s16+$0x10] =	vst v0;
	v0 =	vadd.f32 v5, v3  }
0x41: {  	v3 =	vld [tilespmem:s18+$0x20]  }
0x42: {  	v5 =	vld [tilespmem:s18+$0xFFFFFFB0];
	[tilespmem:s16+$0x20] =	vst v0  }
0x43: {  	v0 =	vld.idx.msk [tilespmem:v8+s3+$0x0], $0xffff  }
0x44: {  	v7 =	vld.idx.msk [tilespmem:v7+s9+$0x0], $0xffff  }
0x45: {  	v8 =	vld [tilespmem:s18+$0x30]  }
0x46: {  	v9 =	vld [tilespmem:s18+$0xFFFFFFC0]  }
0x47: {  	v10 =	vld [tilespmem:s18+$0x40]  }
0x48: {  	v11 =	vld [tilespmem:s18+$0xFFFFFFD0]  }
0x49: {  	v12 =	vld [tilespmem:s18+$0x50]  }
0x4a: {  	v0 =	vadd.f32 v7, v0;
	v13 =	vld [tilespmem:s18+$0xFFFFFFE0]  }
0x4b: {  	s16 =	sadd.s32 $0x80, s16;
	v14 =	vld [tilespmem:s18+$0x60]  }
0x4c: {  	v7 =	vld [tilespmem:s18+$0xFFFFFF80];
	[tilespmem:s16+$0x30] =	vst v0  }
0x4d: {  	v15 =	vld.idx.msk [tilespmem:v2+s9+$0x0], $0xffff  }
0x4e: {  	v0 =	vld.idx.msk [tilespmem:v6+s3+$0x0], $0xffff  }
0x4f: {  	v1 =	vld.idx.msk [tilespmem:v1+s9+$0x0], $0xffff  }
0x50: {  	v4 =	vld.idx.msk [tilespmem:v4+s3+$0x0], $0xffff  }
0x51: {  	v3 =	vld.idx.msk [tilespmem:v3+s9+$0x0], $0xffff  }
0x52: {  	v5 =	vld.idx.msk [tilespmem:v5+s3+$0x0], $0xffff  }
0x53: {  	v6 =	vld.idx.msk [tilespmem:v8+s9+$0x0], $0xffff  }
0x54: {  	v8 =	vld.idx.msk [tilespmem:v7+s3+$0x0], $0xffff  }
0x55: {  	v1 =	vadd.f32 v1, v0;
	v0 =	vld.idx.msk [tilespmem:v9+s3+$0x0], $0xffff  }
.Ltmp0:
0x56: {  	v2 =	vld.idx.msk [tilespmem:v10+s9+$0x0], $0xffff;
	(pc) =	sbr.rel @p0 .LBB2_2-.Ltmp0, $4  }
0x57: {  	v3 =	vadd.f32 v3, v4;
	[tilespmem:s16+$0xFFFFFFD0] =	vst v1;
	v1 =	vld.idx.msk [tilespmem:v11+s3+$0x0], $0xffff  }
0x58: {  	v4 =	vld.idx.msk [tilespmem:v12+s9+$0x0], $0xffff  }
0x59: {  	v7 =	vadd.f32 v6, v5;
	[tilespmem:s16+$0xFFFFFFE0] =	vst v3;
	v3 =	vld.idx.msk [tilespmem:v13+s3+$0x0], $0xffff  }
0x5a: {  	s18 =	sadd.s32 $0x100, s18;
	v6 =	vadd.f32 v15, v8;
	v5 =	vld.idx.msk [tilespmem:v14+s9+$0x0], $0xffff  }
0x5b: {  	_ =	sdelay $0x1  }
0x5c: {  	[tilespmem:s16+$0xFFFFFFF0] =	vst v7;
	v0 =	vadd.f32 v2, v0  }
0x5d: {  	[tilespmem:s16+$0xFFFFFFC0] =	vst v6;
	v1 =	vadd.f32 v4, v1  }
0x5e: {  	s15 =	sadd.s32 $0x1, s15;
	[tilespmem:s16+$0x0] =	vst v0;
	v63 =	vadd.f32 v5, v3  }
0x5f: {  	p0 =	sne.s32 s15, s7;
	[tilespmem:s16+$0x10] =	vst v1  }
.Ltmp1:
0x60: {  	[tilespmem:s16+$0x20] =	vst v63;
	(pc) =	sbr.rel @p0 .LBB2_1-.Ltmp1, $4  }
0x61: {  	[hbm4b:s6+s3] =	stream.linear.scatter [tilespmem:s13], [sflag:$0x4], $0x2780, $0x38;
	[tilespmem:$0xC580] =	vst v63  }
0x62: {  	_ =	swait.ge [sflag:s14], $0x2780  }
0x63: {  	[sflag:s14] =	ssyncset.done $0x0  }
0x64: {  	[sflag:s14] =	ssyncadd.s32 $0xFFFFD880  }
0x65: {  	_ =	sfence.sel $0x180000  }
0x66: {  	[bflag:$0x0] =	sbarrier.arrive $0xFFFF  }
0x67: {  	p0 =	sne.s32 s0, $0x0;
	_ =	strace $0x90000047  }
0x68: {  	s0 =	sadd.s32 @!p0 $0x100000, s2;
	[bflag:$0x2] =	sbarrier.arrive $0xFFFF  }
0x69: {  	[sflag:s0] =	ssyncadd.tile.s32 @!p0 $0x1;
	_ =	shalt  }
.Lfunc_end2:
_tile_overlayer_lowered:
.L_overlay_start_2:
0x6a: {  	(tag) =	ssettag $0x2  }
0x6b: {  	s0 =	rddreg [dreg:$0x0];
	s2 =	stileid.u32  }
0x6c: {  	s1 =	rddreg [dreg:$0x1];
	p0 =	sne.s32 s2, $0x0  }
0x6d: {  	s3 =	rddreg [dreg:$0x2];
	[bflag:$0x3] =	sbarrier.arrive $0xFFFF;
	s2 =	simm.s32 @!p0 $0x1C04  }
0x6e: {  	[timem:s3], [sflag:s2] =	dma.local @!p0 [hbm:s0], s1  }
0x6f: {  	s0 =	simm.s32 @!p0 $0x4  }
0x70: {  	_ =	swait.ge @!p0 [sflag:s0], s1  }
0x71: {  	s1 =	ssub.s32 @!p0 $0x0, s1;
	[sflag:s0] =	ssyncset.done @!p0 $0x0  }
0x72: {  	[sflag:s0] =	ssyncadd.s32 @!p0 s1  }
0x73: {  	[bflag:$0x3] =	sbarrier.arrive $0xFFFF  }
0x74: {  	_ =	shalt  }

</sc_bundles>
